<compile_context>
chip_gen: v7x
topology: tpu7x:2x2x1
jax: 0.10.2.dev20260603
libtpu: 0.0.44.dev20260713+nightly
codegen_flags: <defaults>
</compile_context>

<pallas_src>
import functools

import jax
import jax.numpy as jnp
from jax import lax
from jax.experimental import pallas as pl
from jax.experimental.pallas import tpu as pltpu
from jax.experimental.pallas import tpu_sc as plsc

NUM_SIGNALS = 100000
ROW_WIDTH = 70
BATCH = 4096

_info = plsc.get_sparse_core_info()
_NC, _NS = _info.num_cores, _info.num_subcores
_NW = _NC * _NS
_UNROLL = 8
_NGRP = BATCH // (16 * _UNROLL)


def _make_gather():
    mesh = plsc.VectorSubcoreMesh(core_axis_name="c", subcore_axis_name="s")

    @functools.partial(
        pl.kernel,
        mesh=mesh,
        out_type=jax.ShapeDtypeStruct((ROW_WIDTH, BATCH), jnp.float32),
        scratch_types=[
            pltpu.VMEM((BATCH,), jnp.int32),
            pltpu.VMEM((NUM_SIGNALS,), jnp.float32),
            pltpu.VMEM((BATCH,), jnp.float32),
            pltpu.SemaphoreType.DMA,
        ],
        compiler_params=pltpu.CompilerParams(
            use_tc_tiling_on_sc=True,
            needs_layout_passes=False,
            skip_device_barrier=True,
        ),
    )
    def gather_kernel(idx_hbm, table_hbm, out_hbm, idx_v, plane_v, res_v, sem):
        wid = lax.axis_index("s") * _NC + lax.axis_index("c")
        pltpu.make_async_copy(table_hbm.at[wid], plane_v, sem).start()
        pltpu.sync_copy(idx_hbm, idx_v)

        def do_plane(j, fetch=True):
            if fetch:
                pltpu.make_async_copy(table_hbm.at[j], plane_v, sem).start()
            pltpu.make_async_copy(table_hbm.at[0], plane_v, sem).wait()

            @plsc.parallel_loop(0, BATCH, step=16, unroll=_UNROLL)
            def _(o):
                g = plsc.load_gather(plane_v, [idx_v[pl.ds(o, 16)]])
                res_v[pl.ds(o, 16)] = g

            pltpu.sync_copy(res_v, out_hbm.at[j])

        do_plane(wid, fetch=False)
        do_plane(wid + _NW)

        @pl.when(wid < ROW_WIDTH - 2 * _NW)
        def _():
            do_plane(wid + 2 * _NW)

    return gather_kernel


_gather = _make_gather()


def kernel(idx, appearance):
    out_t = _gather(idx.astype(jnp.int32), appearance.T)
    return out_t.T

# --- scband reference (transcript-rebuilt; emitter-appended) ---
"""Pipeline reference for scband-functa-latents-33870112096311 (READ-ONLY COPY).

The authoritative reference and input builder live on the scoring server;
editing this copy changes nothing except your own understanding.
"""

import jax, jax.numpy as jnp
import numpy as np

NUM_SIGNALS = 100000
LATENT_DIM = 64
DIM_SIGNAL = 3
ORI_DIMS = 3  # dim_orientation == dim_signal == 3 -> 3*(3-1)/2 = 3
NUM_LATENTS = 1
ROW_WIDTH = NUM_LATENTS * (LATENT_DIM + DIM_SIGNAL + ORI_DIMS)  # 70
BATCH = 4096


def setup_inputs(seed: int = 0) -> dict:
    key = jax.random.key(seed)
    k_idx, k_app = jax.random.split(key)
    idx = jax.random.randint(k_idx, (BATCH,), 0, NUM_SIGNALS, dtype=jnp.int64 if jax.config.jax_enable_x64 else jnp.int32)
    appearance = jax.random.normal(k_app, (NUM_SIGNALS, ROW_WIDTH), dtype=jnp.float32)
    return {"idx": idx, "appearance": appearance}


def reference(idx, appearance):
    # Faithful translation of FunctaLatents.__call__ with idx provided:
    # latents = jnp.take(self.appearance, idx, axis=0)
    # The original returns ((None, None), latents); we return the latents array
    # (the pose tuple is always (None, None) and carries no data).
    latents = jnp.take(appearance, idx, axis=0)
    return latents

if __name__ == "__main__":
    import jax
    _d = setup_inputs()
    print(jax.jit(kernel)(*tuple(_d.values())))

</pallas_src>

<mosaic_0001>
#map = affine_map<(d0, d1) -> (0)>
#map1 = affine_map<(d0, d1) -> (0, 0)>
module attributes {stable_mosaic.version = 14 : i64} {
  func.func @gather_kernel(%arg0: i32, %arg1: i32, %arg2: memref<4096xi32, #tpu.memory_space<hbm>>, %arg3: memref<70x100000xf32, #tpu.memory_space<hbm>>, %arg4: memref<70x4096xf32, #tpu.memory_space<hbm>>, %arg5: memref<4096xi32, #tpu.memory_space<vmem>>, %arg6: memref<100000xf32, #tpu.memory_space<vmem>>, %arg7: memref<4096xf32, #tpu.memory_space<vmem>>, %arg8: memref<!tpu.dma_semaphore, #tpu.memory_space<semaphore_mem>>) attributes {dimension_semantics = [#tpu.dimension_semantics<core_parallel>, #tpu.dimension_semantics<subcore_parallel>], iteration_bounds = array<i64: 2, 16>, scalar_prefetch = 0 : i64, scratch_operands = 4 : i64, tpu.core_type = #tpu.core_type<sc_vector_subcore>, window_params = [{transform_indices = #map}, {transform_indices = #map1}, {transform_indices = #map1}]} {
    %mul3A = arith.constant 2 : i32
    %mul3A_0 = arith.muli %arg1, %mul3A : i32
    %add3A = arith.addi %mul3A_0, %arg0 : i32
    %dma_start3A = arith.constant 0 : i32
    %dma_start3A_1 = tpu.memref_slice %arg3[%add3A, %dma_start3A] : memref<70x100000xf32, #tpu.memory_space<hbm>> -> memref<1x100000xf32, #tpu.memory_space<hbm>>
    %dma_start3A_2 = tpu.memref_squeeze %dma_start3A_1 : memref<1x100000xf32, #tpu.memory_space<hbm>> -> memref<100000xf32, #tpu.memory_space<hbm>>
    %dma_start3A_3 = arith.constant 0 : i32
    %dma_start3A_4 = tpu.memref_slice %arg3[%add3A, %dma_start3A_3] : memref<70x100000xf32, #tpu.memory_space<hbm>> -> memref<1x100000xf32, #tpu.memory_space<hbm>>
    %dma_start3A_5 = tpu.memref_squeeze %dma_start3A_4 : memref<1x100000xf32, #tpu.memory_space<hbm>> -> memref<100000xf32, #tpu.memory_space<hbm>>
    tpu.enqueue_dma source(%dma_start3A_5 : memref<100000xf32, #tpu.memory_space<hbm>>) target(%arg6 : memref<100000xf32, #tpu.memory_space<vmem>>) target_semaphore(%arg8 : memref<!tpu.dma_semaphore, #tpu.memory_space<semaphore_mem>>)
    "tpu.region"() ({
      %run_scoped3A = tpu.sem_alloc : memref<!tpu.dma_semaphore, #tpu.memory_space<semaphore_mem>>
      tpu.enqueue_dma source(%arg2 : memref<4096xi32, #tpu.memory_space<hbm>>) target(%arg5 : memref<4096xi32, #tpu.memory_space<vmem>>) target_semaphore(%run_scoped3A : memref<!tpu.dma_semaphore, #tpu.memory_space<semaphore_mem>>)
      tpu.wait_dma2 semaphore(%run_scoped3A : memref<!tpu.dma_semaphore, #tpu.memory_space<semaphore_mem>>) src(%arg2 : memref<4096xi32, #tpu.memory_space<hbm>>) dst(%arg5 : memref<4096xi32, #tpu.memory_space<vmem>>)
      tpu.yield
    }) : () -> ()
    %dma_wait3A = arith.constant 0 : i32
    %dma_wait3A_6 = arith.constant 0 : i32
    %dma_wait3A_7 = tpu.memref_slice %arg3[%dma_wait3A, %dma_wait3A_6] : memref<70x100000xf32, #tpu.memory_space<hbm>> -> memref<1x100000xf32, #tpu.memory_space<hbm>>
    %dma_wait3A_8 = tpu.memref_squeeze %dma_wait3A_7 : memref<1x100000xf32, #tpu.memory_space<hbm>> -> memref<100000xf32, #tpu.memory_space<hbm>>
    %dma_wait3A_9 = arith.constant 0 : i32
    %dma_wait3A_10 = tpu.memref_slice %arg3[%dma_wait3A, %dma_wait3A_9] : memref<70x100000xf32, #tpu.memory_space<hbm>> -> memref<1x100000xf32, #tpu.memory_space<hbm>>
    %dma_wait3A_11 = tpu.memref_squeeze %dma_wait3A_10 : memref<1x100000xf32, #tpu.memory_space<hbm>> -> memref<100000xf32, #tpu.memory_space<hbm>>
    tpu.wait_dma2 semaphore(%arg8 : memref<!tpu.dma_semaphore, #tpu.memory_space<semaphore_mem>>) src(%dma_wait3A_11 : memref<100000xf32, #tpu.memory_space<hbm>>) dst(%arg6 : memref<100000xf32, #tpu.memory_space<vmem>>)
    %parallel_loop3A = arith.constant 0 : i32
    %parallel_loop3A_12 = arith.constant 4096 : i32
    %parallel_loop3A_13 = arith.constant 16 : i32
    scf.for %parallel_loop3A_34 = %parallel_loop3A to %parallel_loop3A_12 step %parallel_loop3A_13  : i32 {
      %parallel_loop3A_35 = arith.index_cast %parallel_loop3A_34 : i32 to index
      %parallel_loop3A_36 = tpu.vector_load %arg5[%parallel_loop3A_35] {strides = array<i32>} : memref<4096xi32, #tpu.memory_space<vmem>>, vector<16xi32>,
      %parallel_loop3A_37 = tpu.vector_load_idx %arg6[%parallel_loop3A_36] : memref<100000xf32, #tpu.memory_space<vmem>>[vector<16xi32>], vector<16xf32>,
      %parallel_loop3A_38 = arith.index_cast %parallel_loop3A_34 : i32 to index
      %parallel_loop3A_39 = tpu.vector_load %arg7[%parallel_loop3A_38] {strides = array<i32>} : memref<4096xf32, #tpu.memory_space<vmem>>, vector<16xf32>,
      tpu.vector_store %arg7[%parallel_loop3A_38], %parallel_loop3A_37 {strides = array<i32>} : memref<4096xf32, #tpu.memory_space<vmem>>, vector<16xf32>,
    } {sc.loop_unroll_factor = 8 : i64, sc.parallel_access}
    "tpu.region"() ({
      %run_scoped3A = tpu.sem_alloc : memref<!tpu.dma_semaphore, #tpu.memory_space<semaphore_mem>>
      %dma_start3A_34 = arith.constant 0 : i32
      %dma_start3A_35 = tpu.memref_slice %arg4[%add3A, %dma_start3A_34] : memref<70x4096xf32, #tpu.memory_space<hbm>> -> memref<1x4096xf32, #tpu.memory_space<hbm>>
      %dma_start3A_36 = tpu.memref_squeeze %dma_start3A_35 : memref<1x4096xf32, #tpu.memory_space<hbm>> -> memref<4096xf32, #tpu.memory_space<hbm>>
      %dma_start3A_37 = arith.constant 0 : i32
      %dma_start3A_38 = tpu.memref_slice %arg4[%add3A, %dma_start3A_37] : memref<70x4096xf32, #tpu.memory_space<hbm>> -> memref<1x4096xf32, #tpu.memory_space<hbm>>
      %dma_start3A_39 = tpu.memref_squeeze %dma_start3A_38 : memref<1x4096xf32, #tpu.memory_space<hbm>> -> memref<4096xf32, #tpu.memory_space<hbm>>
      tpu.enqueue_dma source(%arg7 : memref<4096xf32, #tpu.memory_space<vmem>>) target(%dma_start3A_39 : memref<4096xf32, #tpu.memory_space<hbm>>) target_semaphore(%run_scoped3A : memref<!tpu.dma_semaphore, #tpu.memory_space<semaphore_mem>>)
      %dma_wait3A_40 = arith.constant 0 : i32
      %dma_wait3A_41 = tpu.memref_slice %arg4[%add3A, %dma_wait3A_40] : memref<70x4096xf32, #tpu.memory_space<hbm>> -> memref<1x4096xf32, #tpu.memory_space<hbm>>
      %dma_wait3A_42 = tpu.memref_squeeze %dma_wait3A_41 : memref<1x4096xf32, #tpu.memory_space<hbm>> -> memref<4096xf32, #tpu.memory_space<hbm>>
      %dma_wait3A_43 = arith.constant 0 : i32
      %dma_wait3A_44 = tpu.memref_slice %arg4[%add3A, %dma_wait3A_43] : memref<70x4096xf32, #tpu.memory_space<hbm>> -> memref<1x4096xf32, #tpu.memory_space<hbm>>
      %dma_wait3A_45 = tpu.memref_squeeze %dma_wait3A_44 : memref<1x4096xf32, #tpu.memory_space<hbm>> -> memref<4096xf32, #tpu.memory_space<hbm>>
      tpu.wait_dma2 semaphore(%run_scoped3A : memref<!tpu.dma_semaphore, #tpu.memory_space<semaphore_mem>>) src(%arg7 : memref<4096xf32, #tpu.memory_space<vmem>>) dst(%dma_wait3A_45 : memref<4096xf32, #tpu.memory_space<hbm>>)
      tpu.yield
    }) : () -> ()
    %add3A_14 = arith.constant 32 : i32
    %add3A_15 = arith.addi %add3A, %add3A_14 : i32
    %dma_start3A_16 = arith.constant 0 : i32
    %dma_start3A_17 = tpu.memref_slice %arg3[%add3A_15, %dma_start3A_16] : memref<70x100000xf32, #tpu.memory_space<hbm>> -> memref<1x100000xf32, #tpu.memory_space<hbm>>
    %dma_start3A_18 = tpu.memref_squeeze %dma_start3A_17 : memref<1x100000xf32, #tpu.memory_space<hbm>> -> memref<100000xf32, #tpu.memory_space<hbm>>
    %dma_start3A_19 = arith.constant 0 : i32
    %dma_start3A_20 = tpu.memref_slice %arg3[%add3A_15, %dma_start3A_19] : memref<70x100000xf32, #tpu.memory_space<hbm>> -> memref<1x100000xf32, #tpu.memory_space<hbm>>
    %dma_start3A_21 = tpu.memref_squeeze %dma_start3A_20 : memref<1x100000xf32, #tpu.memory_space<hbm>> -> memref<100000xf32, #tpu.memory_space<hbm>>
    tpu.enqueue_dma source(%dma_start3A_21 : memref<100000xf32, #tpu.memory_space<hbm>>) target(%arg6 : memref<100000xf32, #tpu.memory_space<vmem>>) target_semaphore(%arg8 : memref<!tpu.dma_semaphore, #tpu.memory_space<semaphore_mem>>)
    %dma_wait3A_22 = arith.constant 0 : i32
    %dma_wait3A_23 = arith.constant 0 : i32
    %dma_wait3A_24 = tpu.memref_slice %arg3[%dma_wait3A_22, %dma_wait3A_23] : memref<70x100000xf32, #tpu.memory_space<hbm>> -> memref<1x100000xf32, #tpu.memory_space<hbm>>
    %dma_wait3A_25 = tpu.memref_squeeze %dma_wait3A_24 : memref<1x100000xf32, #tpu.memory_space<hbm>> -> memref<100000xf32, #tpu.memory_space<hbm>>
    %dma_wait3A_26 = arith.constant 0 : i32
    %dma_wait3A_27 = tpu.memref_slice %arg3[%dma_wait3A_22, %dma_wait3A_26] : memref<70x100000xf32, #tpu.memory_space<hbm>> -> memref<1x100000xf32, #tpu.memory_space<hbm>>
    %dma_wait3A_28 = tpu.memref_squeeze %dma_wait3A_27 : memref<1x100000xf32, #tpu.memory_space<hbm>> -> memref<100000xf32, #tpu.memory_space<hbm>>
    tpu.wait_dma2 semaphore(%arg8 : memref<!tpu.dma_semaphore, #tpu.memory_space<semaphore_mem>>) src(%dma_wait3A_28 : memref<100000xf32, #tpu.memory_space<hbm>>) dst(%arg6 : memref<100000xf32, #tpu.memory_space<vmem>>)
    %parallel_loop3A_29 = arith.constant 0 : i32
    %parallel_loop3A_30 = arith.constant 4096 : i32
    %parallel_loop3A_31 = arith.constant 16 : i32
    scf.for %parallel_loop3A_34 = %parallel_loop3A_29 to %parallel_loop3A_30 step %parallel_loop3A_31  : i32 {
      %parallel_loop3A_35 = arith.index_cast %parallel_loop3A_34 : i32 to index
      %parallel_loop3A_36 = tpu.vector_load %arg5[%parallel_loop3A_35] {strides = array<i32>} : memref<4096xi32, #tpu.memory_space<vmem>>, vector<16xi32>,
      %parallel_loop3A_37 = tpu.vector_load_idx %arg6[%parallel_loop3A_36] : memref<100000xf32, #tpu.memory_space<vmem>>[vector<16xi32>], vector<16xf32>,
      %parallel_loop3A_38 = arith.index_cast %parallel_loop3A_34 : i32 to index
      %parallel_loop3A_39 = tpu.vector_load %arg7[%parallel_loop3A_38] {strides = array<i32>} : memref<4096xf32, #tpu.memory_space<vmem>>, vector<16xf32>,
      tpu.vector_store %arg7[%parallel_loop3A_38], %parallel_loop3A_37 {strides = array<i32>} : memref<4096xf32, #tpu.memory_space<vmem>>, vector<16xf32>,
    } {sc.loop_unroll_factor = 8 : i64, sc.parallel_access}
    "tpu.region"() ({
      %run_scoped3A = tpu.sem_alloc : memref<!tpu.dma_semaphore, #tpu.memory_space<semaphore_mem>>
      %dma_start3A_34 = arith.constant 0 : i32
      %dma_start3A_35 = tpu.memref_slice %arg4[%add3A_15, %dma_start3A_34] : memref<70x4096xf32, #tpu.memory_space<hbm>> -> memref<1x4096xf32, #tpu.memory_space<hbm>>
      %dma_start3A_36 = tpu.memref_squeeze %dma_start3A_35 : memref<1x4096xf32, #tpu.memory_space<hbm>> -> memref<4096xf32, #tpu.memory_space<hbm>>
      %dma_start3A_37 = arith.constant 0 : i32
      %dma_start3A_38 = tpu.memref_slice %arg4[%add3A_15, %dma_start3A_37] : memref<70x4096xf32, #tpu.memory_space<hbm>> -> memref<1x4096xf32, #tpu.memory_space<hbm>>
      %dma_start3A_39 = tpu.memref_squeeze %dma_start3A_38 : memref<1x4096xf32, #tpu.memory_space<hbm>> -> memref<4096xf32, #tpu.memory_space<hbm>>
      tpu.enqueue_dma source(%arg7 : memref<4096xf32, #tpu.memory_space<vmem>>) target(%dma_start3A_39 : memref<4096xf32, #tpu.memory_space<hbm>>) target_semaphore(%run_scoped3A : memref<!tpu.dma_semaphore, #tpu.memory_space<semaphore_mem>>)
      %dma_wait3A_40 = arith.constant 0 : i32
      %dma_wait3A_41 = tpu.memref_slice %arg4[%add3A_15, %dma_wait3A_40] : memref<70x4096xf32, #tpu.memory_space<hbm>> -> memref<1x4096xf32, #tpu.memory_space<hbm>>
      %dma_wait3A_42 = tpu.memref_squeeze %dma_wait3A_41 : memref<1x4096xf32, #tpu.memory_space<hbm>> -> memref<4096xf32, #tpu.memory_space<hbm>>
      %dma_wait3A_43 = arith.constant 0 : i32
      %dma_wait3A_44 = tpu.memref_slice %arg4[%add3A_15, %dma_wait3A_43] : memref<70x4096xf32, #tpu.memory_space<hbm>> -> memref<1x4096xf32, #tpu.memory_space<hbm>>
      %dma_wait3A_45 = tpu.memref_squeeze %dma_wait3A_44 : memref<1x4096xf32, #tpu.memory_space<hbm>> -> memref<4096xf32, #tpu.memory_space<hbm>>
      tpu.wait_dma2 semaphore(%run_scoped3A : memref<!tpu.dma_semaphore, #tpu.memory_space<semaphore_mem>>) src(%arg7 : memref<4096xf32, #tpu.memory_space<vmem>>) dst(%dma_wait3A_45 : memref<4096xf32, #tpu.memory_space<hbm>>)
      tpu.yield
    }) : () -> ()
    %lt3A = arith.constant 6 : i32
    %lt3A_32 = arith.cmpi slt, %add3A, %lt3A : i32
    %convert_element_type3A = arith.extui %lt3A_32 : i1 to i32
    %cond3A = arith.constant 0 : i32
    %cond3A_33 = arith.cmpi ne, %convert_element_type3A, %cond3A : i32
    scf.if %cond3A_33 {
      %add3A_34 = arith.constant 64 : i32
      %add3A_35 = arith.addi %add3A, %add3A_34 : i32
      %dma_start3A_36 = arith.constant 0 : i32
      %dma_start3A_37 = tpu.memref_slice %arg3[%add3A_35, %dma_start3A_36] : memref<70x100000xf32, #tpu.memory_space<hbm>> -> memref<1x100000xf32, #tpu.memory_space<hbm>>
      %dma_start3A_38 = tpu.memref_squeeze %dma_start3A_37 : memref<1x100000xf32, #tpu.memory_space<hbm>> -> memref<100000xf32, #tpu.memory_space<hbm>>
      %dma_start3A_39 = arith.constant 0 : i32
      %dma_start3A_40 = tpu.memref_slice %arg3[%add3A_35, %dma_start3A_39] : memref<70x100000xf32, #tpu.memory_space<hbm>> -> memref<1x100000xf32, #tpu.memory_space<hbm>>
      %dma_start3A_41 = tpu.memref_squeeze %dma_start3A_40 : memref<1x100000xf32, #tpu.memory_space<hbm>> -> memref<100000xf32, #tpu.memory_space<hbm>>
      tpu.enqueue_dma source(%dma_start3A_41 : memref<100000xf32, #tpu.memory_space<hbm>>) target(%arg6 : memref<100000xf32, #tpu.memory_space<vmem>>) target_semaphore(%arg8 : memref<!tpu.dma_semaphore, #tpu.memory_space<semaphore_mem>>)
      %dma_wait3A_42 = arith.constant 0 : i32
      %dma_wait3A_43 = arith.constant 0 : i32
      %dma_wait3A_44 = tpu.memref_slice %arg3[%dma_wait3A_42, %dma_wait3A_43] : memref<70x100000xf32, #tpu.memory_space<hbm>> -> memref<1x100000xf32, #tpu.memory_space<hbm>>
      %dma_wait3A_45 = tpu.memref_squeeze %dma_wait3A_44 : memref<1x100000xf32, #tpu.memory_space<hbm>> -> memref<100000xf32, #tpu.memory_space<hbm>>
      %dma_wait3A_46 = arith.constant 0 : i32
      %dma_wait3A_47 = tpu.memref_slice %arg3[%dma_wait3A_42, %dma_wait3A_46] : memref<70x100000xf32, #tpu.memory_space<hbm>> -> memref<1x100000xf32, #tpu.memory_space<hbm>>
      %dma_wait3A_48 = tpu.memref_squeeze %dma_wait3A_47 : memref<1x100000xf32, #tpu.memory_space<hbm>> -> memref<100000xf32, #tpu.memory_space<hbm>>
      tpu.wait_dma2 semaphore(%arg8 : memref<!tpu.dma_semaphore, #tpu.memory_space<semaphore_mem>>) src(%dma_wait3A_48 : memref<100000xf32, #tpu.memory_space<hbm>>) dst(%arg6 : memref<100000xf32, #tpu.memory_space<vmem>>)
      %parallel_loop3A_49 = arith.constant 0 : i32
      %parallel_loop3A_50 = arith.constant 4096 : i32
      %parallel_loop3A_51 = arith.constant 16 : i32
      scf.for %parallel_loop3A_52 = %parallel_loop3A_49 to %parallel_loop3A_50 step %parallel_loop3A_51  : i32 {
        %parallel_loop3A_53 = arith.index_cast %parallel_loop3A_52 : i32 to index
        %parallel_loop3A_54 = tpu.vector_load %arg5[%parallel_loop3A_53] {strides = array<i32>} : memref<4096xi32, #tpu.memory_space<vmem>>, vector<16xi32>,
        %parallel_loop3A_55 = tpu.vector_load_idx %arg6[%parallel_loop3A_54] : memref<100000xf32, #tpu.memory_space<vmem>>[vector<16xi32>], vector<16xf32>,
        %parallel_loop3A_56 = arith.index_cast %parallel_loop3A_52 : i32 to index
        %parallel_loop3A_57 = tpu.vector_load %arg7[%parallel_loop3A_56] {strides = array<i32>} : memref<4096xf32, #tpu.memory_space<vmem>>, vector<16xf32>,
        tpu.vector_store %arg7[%parallel_loop3A_56], %parallel_loop3A_55 {strides = array<i32>} : memref<4096xf32, #tpu.memory_space<vmem>>, vector<16xf32>,
      } {sc.loop_unroll_factor = 8 : i64, sc.parallel_access}
      "tpu.region"() ({
        %run_scoped3A = tpu.sem_alloc : memref<!tpu.dma_semaphore, #tpu.memory_space<semaphore_mem>>
        %dma_start3A_52 = arith.constant 0 : i32
        %dma_start3A_53 = tpu.memref_slice %arg4[%add3A_35, %dma_start3A_52] : memref<70x4096xf32, #tpu.memory_space<hbm>> -> memref<1x4096xf32, #tpu.memory_space<hbm>>
        %dma_start3A_54 = tpu.memref_squeeze %dma_start3A_53 : memref<1x4096xf32, #tpu.memory_space<hbm>> -> memref<4096xf32, #tpu.memory_space<hbm>>
        %dma_start3A_55 = arith.constant 0 : i32
        %dma_start3A_56 = tpu.memref_slice %arg4[%add3A_35, %dma_start3A_55] : memref<70x4096xf32, #tpu.memory_space<hbm>> -> memref<1x4096xf32, #tpu.memory_space<hbm>>
        %dma_start3A_57 = tpu.memref_squeeze %dma_start3A_56 : memref<1x4096xf32, #tpu.memory_space<hbm>> -> memref<4096xf32, #tpu.memory_space<hbm>>
        tpu.enqueue_dma source(%arg7 : memref<4096xf32, #tpu.memory_space<vmem>>) target(%dma_start3A_57 : memref<4096xf32, #tpu.memory_space<hbm>>) target_semaphore(%run_scoped3A : memref<!tpu.dma_semaphore, #tpu.memory_space<semaphore_mem>>)
        %dma_wait3A_58 = arith.constant 0 : i32
        %dma_wait3A_59 = tpu.memref_slice %arg4[%add3A_35, %dma_wait3A_58] : memref<70x4096xf32, #tpu.memory_space<hbm>> -> memref<1x4096xf32, #tpu.memory_space<hbm>>
        %dma_wait3A_60 = tpu.memref_squeeze %dma_wait3A_59 : memref<1x4096xf32, #tpu.memory_space<hbm>> -> memref<4096xf32, #tpu.memory_space<hbm>>
        %dma_wait3A_61 = arith.constant 0 : i32
        %dma_wait3A_62 = tpu.memref_slice %arg4[%add3A_35, %dma_wait3A_61] : memref<70x4096xf32, #tpu.memory_space<hbm>> -> memref<1x4096xf32, #tpu.memory_space<hbm>>
        %dma_wait3A_63 = tpu.memref_squeeze %dma_wait3A_62 : memref<1x4096xf32, #tpu.memory_space<hbm>> -> memref<4096xf32, #tpu.memory_space<hbm>>
        tpu.wait_dma2 semaphore(%run_scoped3A : memref<!tpu.dma_semaphore, #tpu.memory_space<semaphore_mem>>) src(%arg7 : memref<4096xf32, #tpu.memory_space<vmem>>) dst(%dma_wait3A_63 : memref<4096xf32, #tpu.memory_space<hbm>>)
        tpu.yield
      }) : () -> ()
    } else {
    }
    return
  }
}

</mosaic_0001>

<sc_bundles>
// kernel: kernel.3.cloned.1.call-start
scs
__scs_entry_jumppad:
0x0: {  	(pc) =	sbr.rel $0x88, $3  }
0x1: {  	(tag) =	ssettag $0x0;
	lr =	simm.s32 $0x1  }
0x2: {  	[smem:$0x3F9F] =	sst lr;
	_ =	strace $0xD0000000  }
0x3: {  	_ = 	snop  }
0x4: {  	_ = 	snop  }
0x5: {  	_ = 	snop  }
0x6: {  	_ = 	snop  }
0x7: {  	_ = 	snop  }
__scs_overlays_trampoline_lowered:
0x8: {  	[smem:$0x3FAE] =	sst s0  }
0x9: {  	[smem:$0x3FAF] =	sst s1  }
0xa: {  	[smem:$0x3FB0] =	sst s2  }
0xb: {  	[smem:$0x3FB1] =	sst s3  }
0xc: {  	[smem:$0x3FB2] =	sst s4  }
0xd: {  	[smem:$0x3FB3] =	sst s5  }
0xe: {  	[smem:$0x3FB4] =	sst s6  }
0xf: {  	[smem:$0x3FB5] =	sst s7  }
0x10: {  	[smem:$0x3FB6] =	sst s8  }
0x11: {  	[smem:$0x3FB7] =	sst s9;
	s0 =	simm.s32 @!p0 $0x0  }
0x12: {  	s1 =	sld [smem:$0x3F9D];
	s0 =	simm.s32 @p0 $0x1  }
0x13: {  	[smem:$0x3FB8] =	sst s0;
	s0 =	simm.s32 @!p1 $0x0  }
0x14: {  	s2 =	sld [smem:$0x3F9C];
	s0 =	simm.s32 @p1 $0x1  }
0x15: {  	[smem:$0x3FB9] =	sst s0;
	s0 =	simm.s32 @!p2 $0x0  }
0x16: {  	s3 =	sld [smem:$0x3FDB];
	s0 =	simm.s32 @p2 $0x1  }
0x17: {  	s4 =	simm.s32 $0x1BF5;
	[smem:$0x3FBB] =	sst s0  }
0x18: {  	s0 =	sld [smem:$0x3F9E];
	_ =	swait.ge [sflag:s4], $0x0  }
0x19: {  	s7 =	sld [smem:$0x3F9F]  }
0x1a: {  	s8 =	sadd.s32 $0xFFFFE003, lr  }
0x1b: {  	s9 =	sadd.s32 $0xFFFFFEF7, lr;
	s5 =	simm.s32 $0xFFFFFFFF;
	p2 =	slt.u32 s8, $0xFFFFF086  }
0x1c: {  	p1 =	slt.u32 s9, $0xF7A;
	s5 =	simm.s32 @!p2 $0x0  }
0x1d: {  	s5 =	simm.s32 @p1 $0x1;
	p0 =	seq.s32 s7, s2  }
0x1e: {  	s7 =	smul.u32 @!p0 $0xF7A, s2;
	p2 =	seq.s32 @!p0 s5, $0x0  }
0x1f: {  	s9 =	smul.u32 $0xF7A, s1;
	s8 =	simm.s32 @!p0 $0x1BF5;
	p2 =	por !p2, p0  }
0x20: {  	[sflag:s8] =	ssyncset.s32 @!p0 $0xFFFFF086;
	s6 =	sadd.s32 @!p0 s3, s7;
	s7 =	simm.s32 @!p0 $0x108  }
0x21: {  	s3 =	sadd.s32 s3, s9;
	s6 =	sadd.s32 @!p0 $0x88, s6;
	s7 =	simm.s32 @p2 $0x1082  }
0x22: {  	[simem:s7], [sflag:s8] =	dma.local @!p0 [hbm:s6], $0xF7A  }
0x23: {  	s9 =	sor.u32 $0xD0000000, s2;
	s6 =	simm.s32 $0x108;
	_ =	swait.ge @!p0 [sflag:s8], $0x0  }
0x24: {  	s3 =	sadd.s32 $0x88, s3;
	s6 =	simm.s32 @!p1 $0x1082;
	[sflag:s4] =	ssyncset.s32 $0xFFFFF086  }
0x25: {  	[simem:s6], [sflag:s4] =	dma.local [hbm:s3], $0xF7A  }
0x26: {  	[smem:$0x3F9F] =	sst s1;
	(tag) =	ssettag s2;
	_ =	strace s9  }
0x27: {  	s1 =	sld [smem:$0x3FAF]  }
0x28: {  	s2 =	sld [smem:$0x3FB0]  }
0x29: {  	s4 =	sld [smem:$0x3FB2]  }
0x2a: {  	p0 =	seq.s32 s5, $0x0;
	s5 =	sld [smem:$0x3FB3]  }
0x2b: {  	s6 =	sld [smem:$0x3FB4]  }
0x2c: {  	s7 =	sld [smem:$0x3FB5]  }
0x2d: {  	s3 =	simm.s32 $0x108;
	s8 =	sld [smem:$0x3FB6]  }
0x2e: {  	s3 =	simm.s32 @!p0 $0x1082;
	s9 =	sld [smem:$0x3FB7]  }
0x2f: {  	lr =	sadd.s32 s0, s3;
	s0 =	sld [smem:$0x3FAE]  }
0x30: {  	s3 =	sld [smem:$0x3FB1]  }
0x31: {  	[smem:$0x3FBA] =	sst s10  }
0x32: {  	s10 =	sld [smem:$0x3FB8];
	_ =	sdelay $0x3  }
0x33: {  	p0 =	seq.s32 s10, $0x1;
	s10 =	sld [smem:$0x3FBA];
	_ =	sdelay $0x3  }
0x34: {  	[smem:$0x3FBA] =	sst s10  }
0x35: {  	s10 =	sld [smem:$0x3FB9];
	_ =	sdelay $0x3  }
0x36: {  	p1 =	seq.s32 s10, $0x1;
	s10 =	sld [smem:$0x3FBA];
	_ =	sdelay $0x3  }
0x37: {  	[smem:$0x3FBA] =	sst s10  }
0x38: {  	s10 =	sld [smem:$0x3FBB]  }
0x39: {  	_ = 	snop;
	(pc) =	sbr.ind lr, $3  }
0x3a: {  	_ = 	snop  }
0x3b: {  	_ = 	snop  }
0x3c: {  	p2 =	seq.s32 s10, $0x1;
	s10 =	sld [smem:$0x3FBA]  }
0x3d: {  	_ =	shalt  }
0x3e: {  	_ =	shalt  }
0x3f: {  	_ =	shalt  }
0x40: {  	_ =	shalt  }
0x41: {  	_ =	shalt  }
0x42: {  	_ =	shalt  }
0x43: {  	_ =	shalt  }
0x44: {  	_ =	shalt  }
0x45: {  	_ =	shalt  }
0x46: {  	_ =	shalt  }
0x47: {  	_ =	shalt  }
0x48: {  	_ =	shalt  }
0x49: {  	_ =	shalt  }
0x4a: {  	_ =	shalt  }
0x4b: {  	_ =	shalt  }
0x4c: {  	_ =	shalt  }
0x4d: {  	_ =	shalt  }
0x4e: {  	_ =	shalt  }
0x4f: {  	_ =	shalt  }
0x50: {  	_ =	shalt  }
0x51: {  	_ =	shalt  }
0x52: {  	_ =	shalt  }
0x53: {  	_ =	shalt  }
0x54: {  	_ =	shalt  }
0x55: {  	_ =	shalt  }
0x56: {  	_ =	shalt  }
0x57: {  	_ =	shalt  }
0x58: {  	_ =	shalt  }
0x59: {  	_ =	shalt  }
0x5a: {  	_ =	shalt  }
0x5b: {  	_ =	shalt  }
0x5c: {  	_ =	shalt  }
0x5d: {  	_ =	shalt  }
0x5e: {  	_ =	shalt  }
0x5f: {  	_ =	shalt  }
0x60: {  	_ =	shalt  }
0x61: {  	_ =	shalt  }
0x62: {  	_ =	shalt  }
0x63: {  	_ =	shalt  }
0x64: {  	_ =	shalt  }
0x65: {  	_ =	shalt  }
0x66: {  	_ =	shalt  }
0x67: {  	_ =	shalt  }
0x68: {  	_ =	shalt  }
0x69: {  	_ =	shalt  }
0x6a: {  	_ =	shalt  }
0x6b: {  	_ =	shalt  }
0x6c: {  	_ =	shalt  }
0x6d: {  	_ =	shalt  }
0x6e: {  	_ =	shalt  }
0x6f: {  	_ =	shalt  }
0x70: {  	_ =	shalt  }
0x71: {  	_ =	shalt  }
0x72: {  	_ =	shalt  }
0x73: {  	_ =	shalt  }
0x74: {  	_ =	shalt  }
0x75: {  	_ =	shalt  }
0x76: {  	_ =	shalt  }
0x77: {  	_ =	shalt  }
0x78: {  	_ =	shalt  }
0x79: {  	_ =	shalt  }
0x7a: {  	_ =	shalt  }
0x7b: {  	_ =	shalt  }
0x7c: {  	_ =	shalt  }
0x7d: {  	_ =	shalt  }
0x7e: {  	_ =	shalt  }
0x7f: {  	_ =	shalt  }
0x80: {  	_ =	shalt  }
0x81: {  	_ =	shalt  }
0x82: {  	_ =	shalt  }
0x83: {  	_ =	shalt  }
0x84: {  	_ =	shalt  }
0x85: {  	_ =	shalt  }
0x86: {  	_ =	shalt  }
0x87: {  	_ =	shalt  }
.Lfunc_end0:
.L_simem_size_0:
called_computation_lowered:
.L_overlay_start_0:
0x88: {  	s2 =	sld [smem:$0x3FD9]  }
0x89: {  	s3 =	sld [smem:$0x3FFE];
	_ =	sdelay $0x1  }
0x8a: {  	s1 =	srdreg.scid  }
0x8b: {  	s0 =	sand.u32 $0x1, s1  }
0x8c: {  	s18 =	sshll.u32 s0, $0xA;
	s2 =	sadd.s32 s3, s2  }
0x8d: {  	s2 =	sadd.s32 s2, s18  }
0x8e: {  	[smem:$0x3FC6] =	sst s2  }
0x8f: {  	_ = 	snop  }
0x90: {  	s2 =	sld [smem:$0x3FC9]  }
0x91: {  	s19 =	sld [smem:$0x3FC8]  }
0x92: {  	s4 =	sld [smem:$0x3FD0];
	(tm) =	ssettm $0x1  }
0x93: {  	s5 =	sld [smem:$0x3FFB];
	_ =	sdelay $0x3  }
0x94: {  	_ =	strace s5  }
0x95: {  	s5 =	sld [smem:$0x3FFC];
	_ =	sdelay $0x3  }
0x96: {  	_ =	strace s5  }
0x97: {  	s5 =	sld [smem:$0x3FFD];
	_ =	sdelay $0x3  }
0x98: {  	_ =	strace s5  }
0x99: {  	_ =	strace $0x8FFFFFFF  }
0x9a: {  	s20 =	sld [smem:$0x3FDB];
	_ =	sdelay $0x1  }
0x9b: {  	s6 =	simm.s32 $_scs_section_size  }
0x9c: {  	s7 =	simm.s32 $_size__tile_overlayer_lowered;
	s8 =	simm.s32 $_tile_overlayer_lowered  }
0x9d: {  	s23 =	simm.s32 $0x1BFF;
	s22 =	sshll.u32 s8, $0x1;
	s5 =	sadd.s32 s6, s20  }
0x9e: {  	s9 =	simm.s32 $0x0;
	s21 =	sshll.u32 s7, $0x1;
	s7 =	sadd.s32 s22, s5  }
0x9f: {  	[timem:s9], [sflag:s23] =	dma.local [hbm:s7], s21  }
0xa0: {  	_ =	swait.ge [sflag:s23], s21  }
0xa1: {  	s6 =	ssub.s32 $0x0, s21;
	[sflag:s23] =	ssyncset.done $0x0  }
0xa2: {  	[sflag:s23] =	ssyncadd.s32 s6;
	_ =	sdelay $0x1  }
0xa3: {  	s24 =	simm.s32 $0x1B8B  }
0xa4: {  	_ =	swait.ge [sflag:s24], $0x1  }
0xa5: {  	[sflag:s24] =	ssyncset.done $0x0  }
0xa6: {  	s25 =	simm.s32 $0x1B8E;
	[sflag:s24] =	ssyncadd.s32 $0xFFFFFFFF  }
0xa7: {  	s26 =	simm.s32 $execute0_lowered;
	[smem:$0x3FD2] =	sst s25  }
0xa8: {  	s6 =	sshll.u32 s26, $0x1;
	_ =	strace $0x80000046;
	[dreg:$0x1] =	wrdreg $0xFFFFFFFF  }
0xa9: {  	s28 =	simm.s32 $_size_execute0_lowered;
	s5 =	sadd.s32 s5, s6;
	[dreg:$0x0] =	wrdreg $0x0  }
0xaa: {  	s6 =	sshll.u32 s28, $0x1;
	[dreg:$0x2] =	wrdreg s5  }
0xab: {  	[dreg:$0x3] =	wrdreg s6  }
0xac: {  	[dreg:$0x4] =	wrdreg $0xC0  }
0xad: {  	_ =	task [dreg:s9], $0x5FFFF  }
0xae: {  	[dreg:$0x1] =	wrdreg $0xFFFFFFFF  }
0xaf: {  	[dreg:$0x0] =	wrdreg $0x60  }
0xb0: {  	[dreg:$0x2] =	wrdreg s2  }
0xb1: {  	[dreg:$0x3] =	wrdreg s19  }
0xb2: {  	[dreg:$0x4] =	wrdreg s4  }
0xb3: {  	[dreg:$0x5] =	wrdreg $0x9  }
0xb4: {  	_ =	task.clear_ibuf [dreg:s9], $0x6FFFF;
	_ =	strace $0x90000046  }
0xb5: {  	s29 =	simm.s32 $0x9;
	_ =	strace $0x80000048  }
0xb6: {  	_ =	swait.ge [sflag:s29], $0x1  }
0xb7: {  	[sflag:s29] =	ssyncadd.s32 $0xFFFFFFFF  }
0xb8: {  	_ =	strace $0x90000048  }
0xb9: {  	_ =	sfence  }
0xba: {  	s30 =	sld [smem:$0x0];
	_ =	sdelay $0x2  }
0xbb: {  	s31 =	sshll.u32 s1, $0xD;
	s1 =	sshrl.u32 s1, $0x2  }
0xbc: {  	s3 =	sand.u32 $0x4000, s31;
	s1 =	sadd.s32 s1, s30  }
0xbd: {  	s0 =	sor.u32 s3, s0;
	s1 =	sshll.u32 s1, $0x11  }
0xbe: {  	s0 =	sor.u32 s1, s0  }
0xbf: {  	s0 =	sadd.s32 $0x8F2B, s0  }
0xc0: {  	[sflag:s0] =	ssyncadd.remote.s32 $0x1  }
0xc1: {  	_ =	sfence.sel $0xFFFF  }
0xc2: {  	[dreg:$0x0] =	wrdreg $0xFFFFFFFF;
	(pc) =	sbr.abs _section_cstart, $3  }
0xc3: {  	[dreg:$0x1] =	wrdreg $0xFFFFFFFF  }
0xc4: {  	_ =	task.clear_ibuf [dreg:s9], $0x2FFFF;
	_ =	strace $0x9FFFFFFF  }
0xc5: {  	(tm) =	ssettm $0x7FFFFFFF  }
tec
execute0_lowered:
.L_overlay_start_1:
0x0: {  	(tag) =	ssettag $0x1  }
0x1: {  	s1 =	rddreg [dreg:$0x0]  }
0x2: {  	s7 =	rddreg [dreg:$0x1]  }
0x3: {  	s8 =	rddreg [dreg:$0x2]  }
0x4: {  	s0 =	rddreg [dreg:$0x3];
	s3 =	simm.s32 $0x0  }
0x5: {  	s4 =	srdreg.scid;
	s2 =	stileid.u32;
	s13 =	simm.s32 $0x1000  }
0x6: {  	s14 =	simm.s32 $0x2;
	s15 =	simm.s32 $0x1;
	s16 =	simm.s32 $0x19700  }
0x7: {  	s17 =	simm.s32 $0x0;
	[smem:$0x7FF] =	sst s3;
	s4 =	sand.u32 $0x1, s4  }
0x8: {  	s6 =	sshrl.u32 s2, $0x2;
	s9 =	sshll.u32 s2, $0x8;
	p0 =	sgt.u32 s2, $0x2  }
0x9: {  	_ =	strace $0x80000047;
	s5 =	ssub.s32 $0x2, s4;
	s4 =	sshll.u32 s4, $0x7  }
0xa: {  	s9 =	sand.u32 $0x300, s9;
	s10 =	smul.u32 $0xC3800, s6;
	s12 =	sor.u32 $0x4, s6  }
0xb: {  	s6 =	sshll.u32 s6, $0xF;
	s11 =	sshrl.u32 s5, $0x1;
	s9 =	sor.u32 s4, s9  }
0xc: {  	s26 =	smul.u32 $0xC3800, s12;
	s30 =	sshll.u32 s12, $0xF;
	s12 =	simm.s32 $0x400  }
0xd: {  	s4 =	sor.u32 s10, s9;
	s11 =	ssub.s32 s5, s11;
	s28 =	sor.u32 s6, s9  }
0xe: {  	s10 =	sor.u32 s9, s30;
	s4 =	sshrl.u32 s4, $0x3;
	s5 =	sshrl.u32 s28, $0x3  }
.Ltmp0:
0xf: {  	s29 =	sor.u32 s9, s26;
	s9 =	sshrl.u32 s9, $0x3;
	(pc) =	sbr.rel .LBB2_1-.Ltmp0, $4  }
0x10: {  	s10 =	sshrl.u32 s10, $0x3;
	s4 =	sadd.s32 s7, s4;
	s5 =	sadd.s32 s8, s5  }
0x11: {  	s6 =	sshrl.u32 s29, $0x3;
	s31 =	sadd.s32 s9, s7;
	s9 =	sadd.s32 s9, s8  }
0x12: {  	s6 =	sadd.s32 s7, s6;
	s7 =	sadd.s32 s8, s10;
	s8 =	sadd.s32 $0xC3800, s31  }
0x13: {  	s9 =	sadd.s32 $0x8000, s9;
	s10 =	smax.u32 s11, $0x1;
	s11 =	simm.s32 $0x80  }
.LBB2_8:
0x14: {  	[tilespmem:s18+$0xFFFFFFE0] =	vst v5  }
0x15: {  	[tilespmem:s18+$0xFFFFFFF0] =	vst v3  }
0x16: {  	[tilespmem:s18+$0x0] =	vst v0  }
0x17: {  	[tilespmem:s18+$0x10] =	vst v1  }
0x18: {  	[tilespmem:s18+$0x20] =	vst v2  }
0x19: {  	[tilespmem:s18+$0xFFFFFFC0] =	vst v4  }
0x1a: {  	[hbm4b:s9+s11] =	stream.strided.scatter [tilespmem:s16], [sflag:$0x2], $0x1000, s12, s11, $0x38;
	[tilespmem:$0x1A700] =	vst v63  }
0x1b: {  	_ =	swait.ge [sflag:s14], $0x1000  }
0x1c: {  	[sflag:s14] =	ssyncset.done $0x0  }
0x1d: {  	[sflag:s14] =	ssyncadd.s32 $0xFFFFF000  }
.LBB2_9:
0x1e: {  	s17 =	sadd.s32 $0x1, s17  }
0x1f: {  	p1 =	sne.s32 s17, s10  }
.Ltmp1:
0x20: {  	_ = 	snop;
	(pc) =	sbr.rel @!p1 .LBB2_10-.Ltmp1, $1  }
0x21: {  	_ =	sdelay $0x3  }
.LBB2_1:
0x22: {  	[tilespmem:s13], [sflag:$0x1] =	stream.strided.gather [hbm4b:s4+s11], $0x18700, s12, s11, $0x38;
	[tilespmem:$0x1A700] =	vst v63  }
0x23: {  	_ = 	snop  }
0x24: {  	[tilespmem:s3], [sflag:$0x2] =	stream.linear.gather [hbm4b:s1+s3], $0x1000, $0x38;
	[tilespmem:$0x1A700] =	vst v63  }
0x25: {  	_ =	swait.ge [sflag:s14], $0x1000  }
0x26: {  	[sflag:s14] =	ssyncset.done $0x0  }
0x27: {  	[sflag:s14] =	ssyncadd.s32 $0xFFFFF000  }
0x28: {  	_ =	swait.ge [sflag:s15], $0x18700  }
0x29: {  	[sflag:s15] =	ssyncset.done $0x0  }
0x2a: {  	s18 =	simm.s32 $0x40;
	[sflag:s15] =	ssyncadd.s32 $0xFFFE7900  }
0x2b: {  	v0 =	vld [tilespmem:s18+$0x30]  }
0x2c: {  	v1 =	vld [tilespmem:s18+$0xFFFFFFD0]  }
0x2d: {  	v2 =	vld [tilespmem:s18+$0xFFFFFFE0]  }
0x2e: {  	v3 =	vld [tilespmem:s18+$0xFFFFFFF0]  }
0x2f: {  	v4 =	vld [tilespmem:s18+$0x0]  }
0x30: {  	v6 =	vld [tilespmem:s18+$0x10]  }
0x31: {  	v7 =	vld [tilespmem:s18+$0x20]  }
0x32: {  	v8 =	vld [tilespmem:s18+$0xFFFFFFC0]  }
0x33: {  	v9 =	vld.idx.msk [tilespmem:v0+s13+$0x0], $0xffff  }
0x34: {  	v10 =	vld.idx.msk [tilespmem:v1+s13+$0x0], $0xffff  }
0x35: {  	v5 =	vld.idx.msk [tilespmem:v2+s13+$0x0], $0xffff  }
0x36: {  	v3 =	vld.idx.msk [tilespmem:v3+s13+$0x0], $0xffff  }
0x37: {  	v0 =	vld.idx.msk [tilespmem:v4+s13+$0x0], $0xffff  }
0x38: {  	s18 =	simm.s32 $0x19740;
	v1 =	vld.idx.msk [tilespmem:v6+s13+$0x0], $0xffff  }
0x39: {  	v2 =	vld.idx.msk [tilespmem:v7+s13+$0x0], $0xffff;
	[tilespmem:s18+$0x30] =	vst v9  }
0x3a: {  	s19 =	simm.s32 $0x0;
	s20 =	simm.s32 $0xC0;
	v4 =	vld.idx.msk [tilespmem:v8+s13+$0x0], $0xffff;
	[tilespmem:s18+$0xFFFFFFD0] =	vst v10  }
.LBB2_2:
0x3b: {  	v6 =	vld [tilespmem:s20+$0x30];
	s19 =	sadd.s32 $0x80, s19;
	[tilespmem:s18+$0xFFFFFFE0] =	vst v5  }
0x3c: {  	v5 =	vld [tilespmem:s20+$0xFFFFFFD0];
	p1 =	slt.u32 s19, $0xF80;
	[tilespmem:s18+$0xFFFFFFF0] =	vst v3  }
0x3d: {  	v3 =	vld [tilespmem:s20+$0xFFFFFFE0];
	[tilespmem:s18+$0x0] =	vst v0  }
0x3e: {  	v0 =	vld [tilespmem:s20+$0xFFFFFFF0];
	[tilespmem:s18+$0x10] =	vst v1  }
0x3f: {  	v1 =	vld [tilespmem:s20+$0x0];
	[tilespmem:s18+$0x20] =	vst v2  }
0x40: {  	v2 =	vld [tilespmem:s20+$0x10];
	[tilespmem:s18+$0xFFFFFFC0] =	vst v4  }
0x41: {  	v4 =	vld [tilespmem:s20+$0x20]  }
0x42: {  	v7 =	vld [tilespmem:s20+$0xFFFFFFC0]  }
0x43: {  	v6 =	vld.idx.msk [tilespmem:v6+s13+$0x0], $0xffff  }
0x44: {  	v8 =	vld.idx.msk [tilespmem:v5+s13+$0x0], $0xffff  }
0x45: {  	v5 =	vld.idx.msk [tilespmem:v3+s13+$0x0], $0xffff  }
.Ltmp2:
0x46: {  	v3 =	vld.idx.msk [tilespmem:v0+s13+$0x0], $0xffff;
	(pc) =	sbr.rel @p1 .LBB2_2-.Ltmp2, $4  }
0x47: {  	v0 =	vld.idx.msk [tilespmem:v1+s13+$0x0], $0xffff  }
0x48: {  	s18 =	sadd.s32 $0x80, s18;
	v1 =	vld.idx.msk [tilespmem:v2+s13+$0x0], $0xffff  }
0x49: {  	v2 =	vld.idx.msk [tilespmem:v4+s13+$0x0], $0xffff;
	[tilespmem:s18+$0x30] =	vst v6  }
0x4a: {  	s20 =	sadd.s32 $0x80, s20;
	v4 =	vld.idx.msk [tilespmem:v7+s13+$0x0], $0xffff;
	[tilespmem:s18+$0xFFFFFFD0] =	vst v8  }
0x4b: {  	[tilespmem:s18+$0xFFFFFFE0] =	vst v5  }
0x4c: {  	[tilespmem:s18+$0xFFFFFFF0] =	vst v3  }
0x4d: {  	[tilespmem:s18+$0x0] =	vst v0  }
0x4e: {  	[tilespmem:s18+$0x10] =	vst v1  }
0x4f: {  	[tilespmem:s18+$0x20] =	vst v2  }
0x50: {  	[tilespmem:s18+$0xFFFFFFC0] =	vst v4  }
0x51: {  	[hbm4b:s5+s11] =	stream.strided.scatter [tilespmem:s16], [sflag:$0x2], $0x1000, s12, s11, $0x38;
	[tilespmem:$0x1A700] =	vst v63  }
0x52: {  	_ =	swait.ge [sflag:s14], $0x1000  }
0x53: {  	[sflag:s14] =	ssyncset.done $0x0  }
0x54: {  	[sflag:s14] =	ssyncadd.s32 $0xFFFFF000  }
0x55: {  	[tilespmem:s13], [sflag:$0x1] =	stream.strided.gather [hbm4b:s6+s11], $0x18700, s12, s11, $0x38;
	[tilespmem:$0x1A700] =	vst v63  }
0x56: {  	_ =	swait.ge [sflag:s15], $0x18700  }
0x57: {  	[sflag:s15] =	ssyncset.done $0x0  }
0x58: {  	s31 =	simm.s32 $0x40;
	[sflag:s15] =	ssyncadd.s32 $0xFFFE7900  }
0x59: {  	v0 =	vld [tilespmem:s31+$0x30]  }
0x5a: {  	v1 =	vld [tilespmem:s31+$0xFFFFFFD0]  }
0x5b: {  	v2 =	vld [tilespmem:s31+$0xFFFFFFE0]  }
0x5c: {  	v3 =	vld [tilespmem:s31+$0xFFFFFFF0]  }
0x5d: {  	v4 =	vld [tilespmem:s31+$0x0]  }
0x5e: {  	v6 =	vld [tilespmem:s31+$0x10]  }
0x5f: {  	v7 =	vld [tilespmem:s31+$0x20]  }
0x60: {  	v8 =	vld [tilespmem:s31+$0xFFFFFFC0]  }
0x61: {  	v9 =	vld.idx.msk [tilespmem:v0+s13+$0x0], $0xffff  }
0x62: {  	v10 =	vld.idx.msk [tilespmem:v1+s13+$0x0], $0xffff  }
0x63: {  	v5 =	vld.idx.msk [tilespmem:v2+s13+$0x0], $0xffff  }
0x64: {  	v3 =	vld.idx.msk [tilespmem:v3+s13+$0x0], $0xffff  }
0x65: {  	v0 =	vld.idx.msk [tilespmem:v4+s13+$0x0], $0xffff  }
0x66: {  	s18 =	simm.s32 $0x19740;
	v1 =	vld.idx.msk [tilespmem:v6+s13+$0x0], $0xffff  }
0x67: {  	v2 =	vld.idx.msk [tilespmem:v7+s13+$0x0], $0xffff;
	[tilespmem:s18+$0x30] =	vst v9  }
0x68: {  	s19 =	simm.s32 $0x0;
	s20 =	simm.s32 $0xC0;
	v4 =	vld.idx.msk [tilespmem:v8+s13+$0x0], $0xffff;
	[tilespmem:s18+$0xFFFFFFD0] =	vst v10  }
.LBB2_4:
0x69: {  	v6 =	vld [tilespmem:s20+$0x30];
	s19 =	sadd.s32 $0x80, s19;
	[tilespmem:s18+$0xFFFFFFE0] =	vst v5  }
0x6a: {  	v5 =	vld [tilespmem:s20+$0xFFFFFFD0];
	p1 =	slt.u32 s19, $0xF80;
	[tilespmem:s18+$0xFFFFFFF0] =	vst v3  }
0x6b: {  	v3 =	vld [tilespmem:s20+$0xFFFFFFE0];
	[tilespmem:s18+$0x0] =	vst v0  }
0x6c: {  	v0 =	vld [tilespmem:s20+$0xFFFFFFF0];
	[tilespmem:s18+$0x10] =	vst v1  }
0x6d: {  	v1 =	vld [tilespmem:s20+$0x0];
	[tilespmem:s18+$0x20] =	vst v2  }
0x6e: {  	v2 =	vld [tilespmem:s20+$0x10];
	[tilespmem:s18+$0xFFFFFFC0] =	vst v4  }
0x6f: {  	v4 =	vld [tilespmem:s20+$0x20]  }
0x70: {  	v7 =	vld [tilespmem:s20+$0xFFFFFFC0]  }
0x71: {  	v6 =	vld.idx.msk [tilespmem:v6+s13+$0x0], $0xffff  }
0x72: {  	v8 =	vld.idx.msk [tilespmem:v5+s13+$0x0], $0xffff  }
0x73: {  	v5 =	vld.idx.msk [tilespmem:v3+s13+$0x0], $0xffff  }
.Ltmp3:
0x74: {  	v3 =	vld.idx.msk [tilespmem:v0+s13+$0x0], $0xffff;
	(pc) =	sbr.rel @p1 .LBB2_4-.Ltmp3, $4  }
0x75: {  	v0 =	vld.idx.msk [tilespmem:v1+s13+$0x0], $0xffff  }
0x76: {  	s18 =	sadd.s32 $0x80, s18;
	v1 =	vld.idx.msk [tilespmem:v2+s13+$0x0], $0xffff  }
0x77: {  	v2 =	vld.idx.msk [tilespmem:v4+s13+$0x0], $0xffff;
	[tilespmem:s18+$0x30] =	vst v6  }
0x78: {  	s20 =	sadd.s32 $0x80, s20;
	v4 =	vld.idx.msk [tilespmem:v7+s13+$0x0], $0xffff;
	[tilespmem:s18+$0xFFFFFFD0] =	vst v8  }
0x79: {  	[tilespmem:s18+$0xFFFFFFE0] =	vst v5  }
0x7a: {  	[tilespmem:s18+$0xFFFFFFF0] =	vst v3  }
0x7b: {  	[tilespmem:s18+$0x0] =	vst v0  }
0x7c: {  	[tilespmem:s18+$0x10] =	vst v1  }
0x7d: {  	[tilespmem:s18+$0x20] =	vst v2  }
.Ltmp4:
0x7e: {  	[tilespmem:s18+$0xFFFFFFC0] =	vst v4;
	(pc) =	sbr.rel @p0 .LBB2_9-.Ltmp4, $4  }
0x7f: {  	[hbm4b:s7+s11] =	stream.strided.scatter [tilespmem:s16], [sflag:$0x2], $0x1000, s12, s11, $0x38;
	[tilespmem:$0x1A700] =	vst v63  }
0x80: {  	_ =	swait.ge [sflag:s14], $0x1000  }
0x81: {  	[sflag:s14] =	ssyncset.done $0x0  }
0x82: {  	[sflag:s14] =	ssyncadd.s32 $0xFFFFF000  }
0x83: {  	[tilespmem:s13], [sflag:$0x1] =	stream.strided.gather [hbm4b:s8+s11], $0x18700, s12, s11, $0x38;
	[tilespmem:$0x1A700] =	vst v63  }
0x84: {  	_ =	swait.ge [sflag:s15], $0x18700  }
0x85: {  	[sflag:s15] =	ssyncset.done $0x0  }
0x86: {  	s18 =	simm.s32 $0x40;
	[sflag:s15] =	ssyncadd.s32 $0xFFFE7900  }
0x87: {  	v0 =	vld [tilespmem:s18+$0x30]  }
0x88: {  	v1 =	vld [tilespmem:s18+$0xFFFFFFD0]  }
0x89: {  	v2 =	vld [tilespmem:s18+$0xFFFFFFE0]  }
0x8a: {  	v3 =	vld [tilespmem:s18+$0xFFFFFFF0]  }
0x8b: {  	v4 =	vld [tilespmem:s18+$0x0]  }
0x8c: {  	v6 =	vld [tilespmem:s18+$0x10]  }
0x8d: {  	v7 =	vld [tilespmem:s18+$0x20]  }
0x8e: {  	v8 =	vld [tilespmem:s18+$0xFFFFFFC0]  }
0x8f: {  	v9 =	vld.idx.msk [tilespmem:v0+s13+$0x0], $0xffff  }
0x90: {  	v10 =	vld.idx.msk [tilespmem:v1+s13+$0x0], $0xffff  }
0x91: {  	v5 =	vld.idx.msk [tilespmem:v2+s13+$0x0], $0xffff  }
0x92: {  	v3 =	vld.idx.msk [tilespmem:v3+s13+$0x0], $0xffff  }
0x93: {  	v0 =	vld.idx.msk [tilespmem:v4+s13+$0x0], $0xffff  }
0x94: {  	s18 =	simm.s32 $0x19740;
	v1 =	vld.idx.msk [tilespmem:v6+s13+$0x0], $0xffff  }
0x95: {  	v2 =	vld.idx.msk [tilespmem:v7+s13+$0x0], $0xffff;
	[tilespmem:s18+$0x30] =	vst v9  }
0x96: {  	s19 =	simm.s32 $0x0;
	s20 =	simm.s32 $0xC0;
	v4 =	vld.idx.msk [tilespmem:v8+s13+$0x0], $0xffff;
	[tilespmem:s18+$0xFFFFFFD0] =	vst v10  }
.LBB2_7:
0x97: {  	v6 =	vld [tilespmem:s20+$0x30];
	s19 =	sadd.s32 $0x80, s19;
	[tilespmem:s18+$0xFFFFFFE0] =	vst v5  }
0x98: {  	v5 =	vld [tilespmem:s20+$0xFFFFFFD0];
	p1 =	slt.u32 s19, $0xF80;
	[tilespmem:s18+$0xFFFFFFF0] =	vst v3  }
0x99: {  	v3 =	vld [tilespmem:s20+$0xFFFFFFE0];
	[tilespmem:s18+$0x0] =	vst v0  }
0x9a: {  	v0 =	vld [tilespmem:s20+$0xFFFFFFF0];
	[tilespmem:s18+$0x10] =	vst v1  }
0x9b: {  	v1 =	vld [tilespmem:s20+$0x0];
	[tilespmem:s18+$0x20] =	vst v2  }
0x9c: {  	v2 =	vld [tilespmem:s20+$0x10];
	[tilespmem:s18+$0xFFFFFFC0] =	vst v4  }
0x9d: {  	v4 =	vld [tilespmem:s20+$0x20]  }
0x9e: {  	v7 =	vld [tilespmem:s20+$0xFFFFFFC0]  }
0x9f: {  	v6 =	vld.idx.msk [tilespmem:v6+s13+$0x0], $0xffff  }
0xa0: {  	v8 =	vld.idx.msk [tilespmem:v5+s13+$0x0], $0xffff  }
0xa1: {  	v5 =	vld.idx.msk [tilespmem:v3+s13+$0x0], $0xffff  }
.Ltmp5:
0xa2: {  	v3 =	vld.idx.msk [tilespmem:v0+s13+$0x0], $0xffff;
	(pc) =	sbr.rel @p1 .LBB2_7-.Ltmp5, $4  }
0xa3: {  	v0 =	vld.idx.msk [tilespmem:v1+s13+$0x0], $0xffff  }
0xa4: {  	s18 =	sadd.s32 $0x80, s18;
	v1 =	vld.idx.msk [tilespmem:v2+s13+$0x0], $0xffff  }
0xa5: {  	v2 =	vld.idx.msk [tilespmem:v4+s13+$0x0], $0xffff;
	[tilespmem:s18+$0x30] =	vst v6  }
0xa6: {  	s20 =	sadd.s32 $0x80, s20;
	v4 =	vld.idx.msk [tilespmem:v7+s13+$0x0], $0xffff;
	[tilespmem:s18+$0xFFFFFFD0] =	vst v8  }
.Ltmp6:
0xa7: {  	_ = 	snop;
	(pc) =	sbr.rel .LBB2_8-.Ltmp6, $1  }
0xa8: {  	_ =	sdelay $0x3  }
.LBB2_10:
0xa9: {  	_ =	sfence.sel $0x180000  }
0xaa: {  	[bflag:$0x0] =	sbarrier.arrive $0xFFFF  }
0xab: {  	p0 =	sne.s32 s2, $0x0;
	_ =	strace $0x90000047  }
0xac: {  	s0 =	sadd.s32 @!p0 $0x100000, s0;
	[bflag:$0x2] =	sbarrier.arrive $0xFFFF  }
0xad: {  	[sflag:s0] =	ssyncadd.tile.s32 @!p0 $0x1;
	_ =	shalt  }
.Lfunc_end2:
_tile_overlayer_lowered:
.L_overlay_start_2:
0xae: {  	(tag) =	ssettag $0x2  }
0xaf: {  	s0 =	rddreg [dreg:$0x0];
	s2 =	stileid.u32  }
0xb0: {  	s1 =	rddreg [dreg:$0x1];
	p0 =	sne.s32 s2, $0x0  }
0xb1: {  	s3 =	rddreg [dreg:$0x2];
	[bflag:$0x3] =	sbarrier.arrive $0xFFFF;
	s2 =	simm.s32 @!p0 $0x1C02  }
0xb2: {  	[timem:s3], [sflag:s2] =	dma.local @!p0 [hbm:s0], s1  }
0xb3: {  	s0 =	simm.s32 @!p0 $0x2  }
0xb4: {  	_ =	swait.ge @!p0 [sflag:s0], s1  }
0xb5: {  	s1 =	ssub.s32 @!p0 $0x0, s1;
	[sflag:s0] =	ssyncset.done @!p0 $0x0  }
0xb6: {  	[sflag:s0] =	ssyncadd.s32 @!p0 s1  }
0xb7: {  	[bflag:$0x3] =	sbarrier.arrive $0xFFFF  }
0xb8: {  	_ =	shalt  }

</sc_bundles>
